<compile_context>
chip_gen: v7x
topology: tpu7x:2x2x1
jax: 0.10.2.dev20260603
libtpu: 0.0.44.dev20260713+nightly
codegen_flags: <defaults>
</compile_context>

<pallas_src>
import functools

import jax
import jax.numpy as jnp
from jax import lax
from jax.experimental import pallas as pl
from jax.experimental.pallas import tpu as pltpu
from jax.experimental.pallas import tpu_sc as plsc

_N_E = 8192
_DIM = 32
_BETA = 0.25
_ROWS = 8 * 32 * 32

_R = 256
_NB = _ROWS // _R

_NC, _NS, _L = 2, 16, 16
_NW = _NC * _NS
_BPW = _ROWS // _NW
_KCH = 128
_NCH = _BPW // _KCH


def _tc_argmin_body(z_ref, cb_ref, idx_ref):
    zb = z_ref[...]
    cb = cb_ref[...]
    m = lax.dot_general(zb, cb, (((1,), (1,)), ((), ())),
                        preferred_element_type=jnp.float32)
    zsq = jnp.sum(zb * zb, axis=1, keepdims=True)
    csq = jnp.sum(cb * cb, axis=1)
    d = (zsq + csq[None, :]) - 2.0 * m
    idx = jnp.argmin(d, axis=1).astype(jnp.int32)
    idx_ref[0, 0, :] = idx


def _tc_argmin(z_flat, codebook):
    idx3 = pl.pallas_call(
        _tc_argmin_body,
        grid=(_NB,),
        in_specs=[
            pl.BlockSpec((_R, _DIM), lambda i: (i, 0)),
            pl.BlockSpec((_N_E, _DIM), lambda i: (0, 0)),
        ],
        out_specs=pl.BlockSpec((1, 1, _R), lambda i: (i, 0, 0)),
        out_shape=jax.ShapeDtypeStruct((_NB, 1, _R), jnp.int32),
    )(z_flat, codebook)
    return idx3.reshape(_ROWS)


_CBPAD = 128


def _sc_lookup_call(codebook_pad, idx_w, z_flat):
    @functools.partial(
        pl.kernel,
        mesh=plsc.VectorSubcoreMesh(core_axis_name="c", subcore_axis_name="s"),
        out_type=[
            jax.ShapeDtypeStruct((_ROWS, _DIM), jnp.float32),
            jax.ShapeDtypeStruct((_NW, _L), jnp.float32),
        ],
        scratch_types=[
            pltpu.VMEM((_NCH, _KCH), jnp.int32),
            pltpu.VMEM((_BPW, _CBPAD), jnp.float32),
            pltpu.VMEM((_BPW, _DIM), jnp.float32),
            pltpu.VMEM((_BPW, _DIM), jnp.float32),
            pltpu.VMEM((1, _L), jnp.float32),
            pltpu.SemaphoreType.DMA,
        ],
    )
    def _sc_lookup(cb_hbm, idx_hbm, z_hbm, zq_hbm, part_hbm,
                   idx_v, rows_v, zq_c, z_v, acc_v, sem):
        wid = lax.axis_index("s") * _NC + lax.axis_index("c")
        base = wid * _BPW
        pltpu.sync_copy(idx_hbm.at[wid], idx_v)
        pltpu.sync_copy(z_hbm.at[pl.ds(base, _BPW)], z_v)
        copies = [
            pltpu.async_copy(cb_hbm.at[idx_v.at[j]],
                             rows_v.at[pl.ds(j * _KCH, _KCH)], sem)
            for j in range(_NCH)
        ]
        for c in copies:
            c.wait()

        def body(i, acc):
            r0 = rows_v[i, pl.ds(0, _L)]
            r1 = rows_v[i, pl.ds(_L, _L)]
            zq_c[i, pl.ds(0, _L)] = r0
            zq_c[i, pl.ds(_L, _L)] = r1
            d0 = r0 - z_v[i, pl.ds(0, _L)]
            d1 = r1 - z_v[i, pl.ds(_L, _L)]
            return acc + (d0 * d0 + d1 * d1)

        acc = lax.fori_loop(0, _BPW, body, jnp.zeros((_L,), jnp.float32))
        acc_v[0, :] = acc
        pltpu.sync_copy(zq_c, zq_hbm.at[pl.ds(base, _BPW)])
        pltpu.sync_copy(acc_v, part_hbm.at[pl.ds(wid, 1)])

    return _sc_lookup(codebook_pad, idx_w, z_flat)


def kernel(z, codebook):
    z_p = jnp.transpose(z, (0, 2, 3, 1))
    z_flat = z_p.reshape(_ROWS, _DIM)
    idx = _tc_argmin(z_flat, codebook)
    idx_w = idx.reshape(_NW, _NCH, _KCH)
    cb_pad = jnp.pad(codebook, ((0, 0), (0, _CBPAD - _DIM)))
    zq_flat, part = _sc_lookup_call(cb_pad, idx_w, z_flat)
    mean_sq = jnp.sum(part) / jnp.float32(_ROWS * _DIM)
    loss = mean_sq + _BETA * mean_sq
    zq_st = z_flat + (zq_flat - z_flat)
    z_q_out = jnp.transpose(zq_st.reshape(z_p.shape), (0, 3, 1, 2))
    return (loss, z_q_out)

# --- scband reference (transcript-rebuilt; emitter-appended) ---
"""Pipeline reference for scband-vector-quantizer-16879221473643 (READ-ONLY COPY).

The authoritative reference and input builder live on the scoring server;
editing this copy changes nothing except your own understanding.
"""

import jax, jax.numpy as jnp
import numpy as np

N_E = 8192
DIM_E = 32
BETA = 0.25

def setup_inputs(seed: int = 0) -> dict:
    key = jax.random.key(seed)
    k1, k2 = jax.random.split(key)
    z = jax.random.normal(k1, (8, 32, 32, 32), dtype=jnp.float32)
    codebook = jax.random.uniform(k2, (N_E, DIM_E), dtype=jnp.float32, minval=-1.0 / N_E, maxval=1.0 / N_E)
    return {"z": z, "codebook": codebook}

def reference(z, codebook):
    sg = jax.lax.stop_gradient
    # z: [B, C, H, W] -> [B, H, W, C]
    z_p = jnp.transpose(z, (0, 2, 3, 1))
    z_flat = z_p.reshape(-1, DIM_E)
    # squared L2 distances to every codebook entry
    d = (jnp.sum(z_flat ** 2, axis=1, keepdims=True)
         + jnp.sum(codebook ** 2, axis=1)
         - 2.0 * jnp.matmul(z_flat, codebook.T))
    min_encoding_indices = jnp.argmin(d, axis=1)
    # one-hot @ codebook == gather of nearest codes
    z_q = jnp.take(codebook, min_encoding_indices, axis=0).reshape(z_p.shape)
    loss = jnp.mean((sg(z_q) - z_p) ** 2) + BETA * jnp.mean((z_q - sg(z_p)) ** 2)
    # straight-through estimator
    z_q_st = z_p + sg(z_q - z_p)
    z_q_out = jnp.transpose(z_q_st, (0, 3, 1, 2))
    return (loss, z_q_out)

if __name__ == "__main__":
    import jax
    _d = setup_inputs()
    print(jax.jit(kernel)(*tuple(_d.values())))

</pallas_src>

<mosaic_0001>
#map = affine_map<(d0, d1) -> (0, 0)>
#map1 = affine_map<(d0, d1) -> (0, 0, 0)>
module attributes {stable_mosaic.version = 14 : i64} {
  func.func @_sc_lookup(%arg0: i32, %arg1: i32, %arg2: memref<8192x128xf32, #tpu.memory_space<hbm>>, %arg3: memref<32x2x128xi32, #tpu.memory_space<hbm>>, %arg4: memref<8192x32xf32, #tpu.memory_space<hbm>>, %arg5: memref<8192x32xf32, #tpu.memory_space<hbm>>, %arg6: memref<32x16xf32, #tpu.memory_space<hbm>>, %arg7: memref<2x128xi32, #tpu.memory_space<vmem>>, %arg8: memref<256x128xf32, #tpu.memory_space<vmem>>, %arg9: memref<256x32xf32, #tpu.memory_space<vmem>>, %arg10: memref<256x32xf32, #tpu.memory_space<vmem>>, %arg11: memref<1x16xf32, #tpu.memory_space<vmem>>, %arg12: memref<!tpu.dma_semaphore, #tpu.memory_space<semaphore_mem>>) attributes {dimension_semantics = [#tpu.dimension_semantics<core_parallel>, #tpu.dimension_semantics<subcore_parallel>], iteration_bounds = array<i64: 2, 16>, scalar_prefetch = 0 : i64, scratch_operands = 6 : i64, tpu.core_type = #tpu.core_type<sc_vector_subcore>, window_params = [{transform_indices = #map}, {transform_indices = #map1}, {transform_indices = #map}, {transform_indices = #map}, {transform_indices = #map}]} {
    %mul3A = arith.constant 2 : i32
    %mul3A_0 = arith.muli %arg1, %mul3A : i32
    %add3A = arith.addi %mul3A_0, %arg0 : i32
    %mul3A_1 = arith.constant 256 : i32
    %mul3A_2 = arith.muli %add3A, %mul3A_1 : i32
    "tpu.region"() ({
      %run_scoped3A = tpu.sem_alloc : memref<!tpu.dma_semaphore, #tpu.memory_space<semaphore_mem>>
      %dma_start3A_52 = arith.constant 0 : i32
      %dma_start3A_53 = arith.constant 0 : i32
      %dma_start3A_54 = tpu.memref_slice %arg3[%add3A, %dma_start3A_52, %dma_start3A_53] : memref<32x2x128xi32, #tpu.memory_space<hbm>> -> memref<1x2x128xi32, #tpu.memory_space<hbm>>
      %dma_start3A_55 = tpu.memref_squeeze %dma_start3A_54 : memref<1x2x128xi32, #tpu.memory_space<hbm>> -> memref<2x128xi32, #tpu.memory_space<hbm>>
      %dma_start3A_56 = arith.constant 0 : i32
      %dma_start3A_57 = arith.constant 0 : i32
      %dma_start3A_58 = tpu.memref_slice %arg3[%add3A, %dma_start3A_56, %dma_start3A_57] : memref<32x2x128xi32, #tpu.memory_space<hbm>> -> memref<1x2x128xi32, #tpu.memory_space<hbm>>
      %dma_start3A_59 = tpu.memref_squeeze %dma_start3A_58 : memref<1x2x128xi32, #tpu.memory_space<hbm>> -> memref<2x128xi32, #tpu.memory_space<hbm>>
      tpu.enqueue_dma source(%dma_start3A_59 : memref<2x128xi32, #tpu.memory_space<hbm>>) target(%arg7 : memref<2x128xi32, #tpu.memory_space<vmem>>) target_semaphore(%run_scoped3A : memref<!tpu.dma_semaphore, #tpu.memory_space<semaphore_mem>>)
      %dma_wait3A_60 = arith.constant 0 : i32
      %dma_wait3A_61 = arith.constant 0 : i32
      %dma_wait3A_62 = tpu.memref_slice %arg3[%add3A, %dma_wait3A_60, %dma_wait3A_61] : memref<32x2x128xi32, #tpu.memory_space<hbm>> -> memref<1x2x128xi32, #tpu.memory_space<hbm>>
      %dma_wait3A_63 = tpu.memref_squeeze %dma_wait3A_62 : memref<1x2x128xi32, #tpu.memory_space<hbm>> -> memref<2x128xi32, #tpu.memory_space<hbm>>
      %dma_wait3A_64 = arith.constant 0 : i32
      %dma_wait3A_65 = arith.constant 0 : i32
      %dma_wait3A_66 = tpu.memref_slice %arg3[%add3A, %dma_wait3A_64, %dma_wait3A_65] : memref<32x2x128xi32, #tpu.memory_space<hbm>> -> memref<1x2x128xi32, #tpu.memory_space<hbm>>
      %dma_wait3A_67 = tpu.memref_squeeze %dma_wait3A_66 : memref<1x2x128xi32, #tpu.memory_space<hbm>> -> memref<2x128xi32, #tpu.memory_space<hbm>>
      tpu.wait_dma2 semaphore(%run_scoped3A : memref<!tpu.dma_semaphore, #tpu.memory_space<semaphore_mem>>) src(%dma_wait3A_67 : memref<2x128xi32, #tpu.memory_space<hbm>>) dst(%arg7 : memref<2x128xi32, #tpu.memory_space<vmem>>)
      tpu.yield
    }) : () -> ()
    "tpu.region"() ({
      %run_scoped3A = tpu.sem_alloc : memref<!tpu.dma_semaphore, #tpu.memory_space<semaphore_mem>>
      %dma_start3A_52 = arith.constant 0 : i32
      %dma_start3A_53 = tpu.memref_slice %arg4[%mul3A_2, %dma_start3A_52] : memref<8192x32xf32, #tpu.memory_space<hbm>> -> memref<256x32xf32, #tpu.memory_space<hbm>>
      %dma_start3A_54 = arith.constant 0 : i32
      %dma_start3A_55 = tpu.memref_slice %arg4[%mul3A_2, %dma_start3A_54] : memref<8192x32xf32, #tpu.memory_space<hbm>> -> memref<256x32xf32, #tpu.memory_space<hbm>>
      tpu.enqueue_dma source(%dma_start3A_55 : memref<256x32xf32, #tpu.memory_space<hbm>>) target(%arg10 : memref<256x32xf32, #tpu.memory_space<vmem>>) target_semaphore(%run_scoped3A : memref<!tpu.dma_semaphore, #tpu.memory_space<semaphore_mem>>)
      %dma_wait3A_56 = arith.constant 0 : i32
      %dma_wait3A_57 = tpu.memref_slice %arg4[%mul3A_2, %dma_wait3A_56] : memref<8192x32xf32, #tpu.memory_space<hbm>> -> memref<256x32xf32, #tpu.memory_space<hbm>>
      %dma_wait3A_58 = arith.constant 0 : i32
      %dma_wait3A_59 = tpu.memref_slice %arg4[%mul3A_2, %dma_wait3A_58] : memref<8192x32xf32, #tpu.memory_space<hbm>> -> memref<256x32xf32, #tpu.memory_space<hbm>>
      tpu.wait_dma2 semaphore(%run_scoped3A : memref<!tpu.dma_semaphore, #tpu.memory_space<semaphore_mem>>) src(%dma_wait3A_59 : memref<256x32xf32, #tpu.memory_space<hbm>>) dst(%arg10 : memref<256x32xf32, #tpu.memory_space<vmem>>)
      tpu.yield
    }) : () -> ()
    %dma_start3A = arith.constant 0 : i32
    %dma_start3A_3 = arith.constant 0 : i32
    %dma_start3A_4 = arith.constant 0 : i32
    %dma_start3A_5 = tpu.memref_slice %arg8[%dma_start3A_3, %dma_start3A_4] : memref<256x128xf32, #tpu.memory_space<vmem>> -> memref<128x128xf32, #tpu.memory_space<vmem>>
    %dma_start3A_6 = arith.constant 0 : i32
    %dma_start3A_7 = tpu.memref_slice %arg7[%dma_start3A, %dma_start3A_6] : memref<2x128xi32, #tpu.memory_space<vmem>> -> memref<1x128xi32, #tpu.memory_space<vmem>>
    %dma_start3A_8 = tpu.memref_squeeze %dma_start3A_7 : memref<1x128xi32, #tpu.memory_space<vmem>> -> memref<128xi32, #tpu.memory_space<vmem>>
    %dma_start3A_9 = arith.constant 0 : i32
    %dma_start3A_10 = arith.constant 0 : i32
    %dma_start3A_11 = tpu.memref_slice %arg2[%dma_start3A_9, %dma_start3A_10] : memref<8192x128xf32, #tpu.memory_space<hbm>> -> memref<8192x128xf32, #tpu.memory_space<hbm>>
    tpu.enqueue_indirect_dma source(%dma_start3A_11 : memref<8192x128xf32, #tpu.memory_space<hbm>>) target(%dma_start3A_5 : memref<128x128xf32, #tpu.memory_space<vmem>>) offsets(%dma_start3A_8 : memref<128xi32, #tpu.memory_space<vmem>>) semaphore(%arg12 : memref<!tpu.dma_semaphore, #tpu.memory_space<semaphore_mem>>)
    %dma_start3A_12 = arith.constant 1 : i32
    %dma_start3A_13 = arith.constant 128 : i32
    %dma_start3A_14 = arith.constant 0 : i32
    %dma_start3A_15 = tpu.memref_slice %arg8[%dma_start3A_13, %dma_start3A_14] : memref<256x128xf32, #tpu.memory_space<vmem>> -> memref<128x128xf32, #tpu.memory_space<vmem>>
    %dma_start3A_16 = arith.constant 0 : i32
    %dma_start3A_17 = tpu.memref_slice %arg7[%dma_start3A_12, %dma_start3A_16] : memref<2x128xi32, #tpu.memory_space<vmem>> -> memref<1x128xi32, #tpu.memory_space<vmem>>
    %dma_start3A_18 = tpu.memref_squeeze %dma_start3A_17 : memref<1x128xi32, #tpu.memory_space<vmem>> -> memref<128xi32, #tpu.memory_space<vmem>>
    %dma_start3A_19 = arith.constant 0 : i32
    %dma_start3A_20 = arith.constant 0 : i32
    %dma_start3A_21 = tpu.memref_slice %arg2[%dma_start3A_19, %dma_start3A_20] : memref<8192x128xf32, #tpu.memory_space<hbm>> -> memref<8192x128xf32, #tpu.memory_space<hbm>>
    tpu.enqueue_indirect_dma source(%dma_start3A_21 : memref<8192x128xf32, #tpu.memory_space<hbm>>) target(%dma_start3A_15 : memref<128x128xf32, #tpu.memory_space<vmem>>) offsets(%dma_start3A_18 : memref<128xi32, #tpu.memory_space<vmem>>) semaphore(%arg12 : memref<!tpu.dma_semaphore, #tpu.memory_space<semaphore_mem>>)
    %dma_wait3A = arith.constant 0 : i32
    %dma_wait3A_22 = arith.constant 0 : i32
    %dma_wait3A_23 = arith.constant 0 : i32
    %dma_wait3A_24 = tpu.memref_slice %arg8[%dma_wait3A_22, %dma_wait3A_23] : memref<256x128xf32, #tpu.memory_space<vmem>> -> memref<128x128xf32, #tpu.memory_space<vmem>>
    %dma_wait3A_25 = arith.constant 0 : i32
    %dma_wait3A_26 = tpu.memref_slice %arg7[%dma_wait3A, %dma_wait3A_25] : memref<2x128xi32, #tpu.memory_space<vmem>> -> memref<1x128xi32, #tpu.memory_space<vmem>>
    %dma_wait3A_27 = tpu.memref_squeeze %dma_wait3A_26 : memref<1x128xi32, #tpu.memory_space<vmem>> -> memref<128xi32, #tpu.memory_space<vmem>>
    %dma_wait3A_28 = arith.constant 0 : i32
    %dma_wait3A_29 = arith.constant 0 : i32
    %dma_wait3A_30 = tpu.memref_slice %arg2[%dma_wait3A_28, %dma_wait3A_29] : memref<8192x128xf32, #tpu.memory_space<hbm>> -> memref<8192x128xf32, #tpu.memory_space<hbm>>
    tpu.wait_indirect_dma semaphore(%arg12 : memref<!tpu.dma_semaphore, #tpu.memory_space<semaphore_mem>>) src(%dma_wait3A_30 : memref<8192x128xf32, #tpu.memory_space<hbm>>) dst(%dma_wait3A_24 : memref<128x128xf32, #tpu.memory_space<vmem>>)
    %dma_wait3A_31 = arith.constant 1 : i32
    %dma_wait3A_32 = arith.constant 128 : i32
    %dma_wait3A_33 = arith.constant 0 : i32
    %dma_wait3A_34 = tpu.memref_slice %arg8[%dma_wait3A_32, %dma_wait3A_33] : memref<256x128xf32, #tpu.memory_space<vmem>> -> memref<128x128xf32, #tpu.memory_space<vmem>>
    %dma_wait3A_35 = arith.constant 0 : i32
    %dma_wait3A_36 = tpu.memref_slice %arg7[%dma_wait3A_31, %dma_wait3A_35] : memref<2x128xi32, #tpu.memory_space<vmem>> -> memref<1x128xi32, #tpu.memory_space<vmem>>
    %dma_wait3A_37 = tpu.memref_squeeze %dma_wait3A_36 : memref<1x128xi32, #tpu.memory_space<vmem>> -> memref<128xi32, #tpu.memory_space<vmem>>
    %dma_wait3A_38 = arith.constant 0 : i32
    %dma_wait3A_39 = arith.constant 0 : i32
    %dma_wait3A_40 = tpu.memref_slice %arg2[%dma_wait3A_38, %dma_wait3A_39] : memref<8192x128xf32, #tpu.memory_space<hbm>> -> memref<8192x128xf32, #tpu.memory_space<hbm>>
    tpu.wait_indirect_dma semaphore(%arg12 : memref<!tpu.dma_semaphore, #tpu.memory_space<semaphore_mem>>) src(%dma_wait3A_40 : memref<8192x128xf32, #tpu.memory_space<hbm>>) dst(%dma_wait3A_34 : memref<128x128xf32, #tpu.memory_space<vmem>>)
    %broadcast_in_dim3A = arith.constant 0.000000e+00 : f32
    %broadcast_in_dim3A_41 = vector.broadcast %broadcast_in_dim3A : f32 to vector<16xf32>
    %scan3A = arith.constant 0 : i32
    %scan3A_42 = arith.constant 256 : i32
    %scan3A_43 = arith.addi %scan3A, %scan3A_42 : i32
    %scan3A_44 = arith.constant 1 : i32
    %scan3A_45 = scf.for %scan3A_52 = %scan3A to %scan3A_43 step %scan3A_44 iter_args(%scan3A_53 = %broadcast_in_dim3A_41) -> (vector<16xf32>)  : i32 {
      %get3A = arith.index_cast %scan3A_52 : i32 to index
      %get3A_54 = arith.constant 0 : index
      %get3A_55 = tpu.vector_load %arg8[%get3A, %get3A_54] {strides = array<i32>} : memref<256x128xf32, #tpu.memory_space<vmem>>, vector<1x16xf32>,
      %get3A_56 = vector.shape_cast %get3A_55 : vector<1x16xf32> to vector<16xf32>
      %get3A_57 = arith.index_cast %scan3A_52 : i32 to index
      %get3A_58 = arith.constant 16 : index
      %get3A_59 = tpu.vector_load %arg8[%get3A_57, %get3A_58] {strides = array<i32>} : memref<256x128xf32, #tpu.memory_space<vmem>>, vector<1x16xf32>,
      %get3A_60 = vector.shape_cast %get3A_59 : vector<1x16xf32> to vector<16xf32>
      %swap3A_61 = arith.index_cast %scan3A_52 : i32 to index
      %swap3A_62 = arith.constant 0 : index
      %swap3A_63 = tpu.vector_load %arg9[%swap3A_61, %swap3A_62] {strides = array<i32>} : memref<256x32xf32, #tpu.memory_space<vmem>>, vector<1x16xf32>,
      %swap3A_64 = vector.shape_cast %swap3A_63 : vector<1x16xf32> to vector<16xf32>
      %swap3A_65 = vector.shape_cast %get3A_56 : vector<16xf32> to vector<1x16xf32>
      tpu.vector_store %arg9[%swap3A_61, %swap3A_62], %swap3A_65 {strides = array<i32>} : memref<256x32xf32, #tpu.memory_space<vmem>>, vector<1x16xf32>,
      %swap3A_66 = arith.index_cast %scan3A_52 : i32 to index
      %swap3A_67 = arith.constant 16 : index
      %swap3A_68 = tpu.vector_load %arg9[%swap3A_66, %swap3A_67] {strides = array<i32>} : memref<256x32xf32, #tpu.memory_space<vmem>>, vector<1x16xf32>,
      %swap3A_69 = vector.shape_cast %swap3A_68 : vector<1x16xf32> to vector<16xf32>
      %swap3A_70 = vector.shape_cast %get3A_60 : vector<16xf32> to vector<1x16xf32>
      tpu.vector_store %arg9[%swap3A_66, %swap3A_67], %swap3A_70 {strides = array<i32>} : memref<256x32xf32, #tpu.memory_space<vmem>>, vector<1x16xf32>,
      %get3A_71 = arith.index_cast %scan3A_52 : i32 to index
      %get3A_72 = arith.constant 0 : index
      %get3A_73 = tpu.vector_load %arg10[%get3A_71, %get3A_72] {strides = array<i32>} : memref<256x32xf32, #tpu.memory_space<vmem>>, vector<1x16xf32>,
      %get3A_74 = vector.shape_cast %get3A_73 : vector<1x16xf32> to vector<16xf32>
      %sub3A = arith.subf %get3A_56, %get3A_74 : vector<16xf32>
      %get3A_75 = arith.index_cast %scan3A_52 : i32 to index
      %get3A_76 = arith.constant 16 : index
      %get3A_77 = tpu.vector_load %arg10[%get3A_75, %get3A_76] {strides = array<i32>} : memref<256x32xf32, #tpu.memory_space<vmem>>, vector<1x16xf32>,
      %get3A_78 = vector.shape_cast %get3A_77 : vector<1x16xf32> to vector<16xf32>
      %sub3A_79 = arith.subf %get3A_60, %get3A_78 : vector<16xf32>
      %mul3A_80 = arith.mulf %sub3A, %sub3A : vector<16xf32>
      %mul3A_81 = arith.mulf %sub3A_79, %sub3A_79 : vector<16xf32>
      %add3A_82 = arith.addf %mul3A_80, %mul3A_81 : vector<16xf32>
      %add3A_83 = arith.addf %scan3A_53, %add3A_82 : vector<16xf32>
      scf.yield %add3A_83 : vector<16xf32>
    }
    %scan3A_46 = arith.constant 256 : i32
    %swap3A = arith.constant 0 : i32
    %swap3A_47 = arith.index_cast %swap3A : i32 to index
    %swap3A_48 = arith.constant 0 : index
    %swap3A_49 = tpu.vector_load %arg11[%swap3A_47, %swap3A_48] {strides = array<i32>} : memref<1x16xf32, #tpu.memory_space<vmem>>, vector<1x16xf32>,
    %swap3A_50 = vector.shape_cast %swap3A_49 : vector<1x16xf32> to vector<16xf32>
    %swap3A_51 = vector.shape_cast %scan3A_45 : vector<16xf32> to vector<1x16xf32>
    tpu.vector_store %arg11[%swap3A_47, %swap3A_48], %swap3A_51 {strides = array<i32>} : memref<1x16xf32, #tpu.memory_space<vmem>>, vector<1x16xf32>,
    "tpu.region"() ({
      %run_scoped3A = tpu.sem_alloc : memref<!tpu.dma_semaphore, #tpu.memory_space<semaphore_mem>>
      %dma_start3A_52 = arith.constant 0 : i32
      %dma_start3A_53 = tpu.memref_slice %arg5[%mul3A_2, %dma_start3A_52] : memref<8192x32xf32, #tpu.memory_space<hbm>> -> memref<256x32xf32, #tpu.memory_space<hbm>>
      %dma_start3A_54 = arith.constant 0 : i32
      %dma_start3A_55 = tpu.memref_slice %arg5[%mul3A_2, %dma_start3A_54] : memref<8192x32xf32, #tpu.memory_space<hbm>> -> memref<256x32xf32, #tpu.memory_space<hbm>>
      tpu.enqueue_dma source(%arg9 : memref<256x32xf32, #tpu.memory_space<vmem>>) target(%dma_start3A_55 : memref<256x32xf32, #tpu.memory_space<hbm>>) target_semaphore(%run_scoped3A : memref<!tpu.dma_semaphore, #tpu.memory_space<semaphore_mem>>)
      %dma_wait3A_56 = arith.constant 0 : i32
      %dma_wait3A_57 = tpu.memref_slice %arg5[%mul3A_2, %dma_wait3A_56] : memref<8192x32xf32, #tpu.memory_space<hbm>> -> memref<256x32xf32, #tpu.memory_space<hbm>>
      %dma_wait3A_58 = arith.constant 0 : i32
      %dma_wait3A_59 = tpu.memref_slice %arg5[%mul3A_2, %dma_wait3A_58] : memref<8192x32xf32, #tpu.memory_space<hbm>> -> memref<256x32xf32, #tpu.memory_space<hbm>>
      tpu.wait_dma2 semaphore(%run_scoped3A : memref<!tpu.dma_semaphore, #tpu.memory_space<semaphore_mem>>) src(%arg9 : memref<256x32xf32, #tpu.memory_space<vmem>>) dst(%dma_wait3A_59 : memref<256x32xf32, #tpu.memory_space<hbm>>)
      tpu.yield
    }) : () -> ()
    "tpu.region"() ({
      %run_scoped3A = tpu.sem_alloc : memref<!tpu.dma_semaphore, #tpu.memory_space<semaphore_mem>>
      %dma_start3A_52 = arith.constant 0 : i32
      %dma_start3A_53 = tpu.memref_slice %arg6[%add3A, %dma_start3A_52] : memref<32x16xf32, #tpu.memory_space<hbm>> -> memref<1x16xf32, #tpu.memory_space<hbm>>
      %dma_start3A_54 = arith.constant 0 : i32
      %dma_start3A_55 = tpu.memref_slice %arg6[%add3A, %dma_start3A_54] : memref<32x16xf32, #tpu.memory_space<hbm>> -> memref<1x16xf32, #tpu.memory_space<hbm>>
      tpu.enqueue_dma source(%arg11 : memref<1x16xf32, #tpu.memory_space<vmem>>) target(%dma_start3A_55 : memref<1x16xf32, #tpu.memory_space<hbm>>) target_semaphore(%run_scoped3A : memref<!tpu.dma_semaphore, #tpu.memory_space<semaphore_mem>>)
      %dma_wait3A_56 = arith.constant 0 : i32
      %dma_wait3A_57 = tpu.memref_slice %arg6[%add3A, %dma_wait3A_56] : memref<32x16xf32, #tpu.memory_space<hbm>> -> memref<1x16xf32, #tpu.memory_space<hbm>>
      %dma_wait3A_58 = arith.constant 0 : i32
      %dma_wait3A_59 = tpu.memref_slice %arg6[%add3A, %dma_wait3A_58] : memref<32x16xf32, #tpu.memory_space<hbm>> -> memref<1x16xf32, #tpu.memory_space<hbm>>
      tpu.wait_dma2 semaphore(%run_scoped3A : memref<!tpu.dma_semaphore, #tpu.memory_space<semaphore_mem>>) src(%arg11 : memref<1x16xf32, #tpu.memory_space<vmem>>) dst(%dma_wait3A_59 : memref<1x16xf32, #tpu.memory_space<hbm>>)
      tpu.yield
    }) : () -> ()
    return
  }
}

module attributes {stable_mosaic.version = 14 : i64} {
  func.func @_tc_argmin_body(%arg0: i32, %arg1: memref<256x32xf32, #tpu.memory_space<vmem>>, %arg2: memref<8192x32xf32, #tpu.memory_space<vmem>>, %arg3: memref<1x1x256xi32, #tpu.memory_space<vmem>>) attributes {dimension_semantics = [#tpu.dimension_semantics<arbitrary>], iteration_bounds = array<i64: 32>, scalar_prefetch = 0 : i64, scratch_operands = 0 : i64, tpu.core_type = #tpu.core_type<tc>, window_params = [{transform_indices = @transform_0, window_bounds = array<i64: 256, 32>}, {pipeline_mode = #tpu.pipeline_mode<synchronous>, transform_indices = @transform_1, window_bounds = array<i64: 8192, 32>}, {transform_indices = @transform_2, window_bounds = array<i64: 1, 1, 256>}]} {
    %get3A = arith.constant 0 : index
    %get3A_0 = arith.constant 0 : index
    %get3A_1 = vector.load %arg1[%get3A, %get3A_0] : memref<256x32xf32, #tpu.memory_space<vmem>>, vector<256x32xf32>
    %get3A_2 = arith.constant 0 : index
    %get3A_3 = arith.constant 0 : index
    %get3A_4 = vector.load %arg2[%get3A_2, %get3A_3] : memref<8192x32xf32, #tpu.memory_space<vmem>>, vector<8192x32xf32>
    %dot_general3A = arith.constant dense<0.000000e+00> : vector<256x8192xf32>
    %dot_general3A_5 = tpu.matmul %get3A_1, %get3A_4, %dot_general3A {dimension_numbers = #tpu.dot_dimension_numbers<[1], [1], [0], [0], [0, 0, 1, 0], [], []>, transpose_lhs_hint = false} : vector<256x32xf32>, vector<8192x32xf32>, vector<256x8192xf32> -> vector<256x8192xf32>
    %mul3A = arith.mulf %get3A_1, %get3A_1 : vector<256x32xf32>
    %reduce_sum3A = arith.constant dense<0.000000e+00> : vector<256xf32>
    %reduce_sum3A_6 = vector.multi_reduction <add>, %mul3A, %reduce_sum3A [1] : vector<256x32xf32> to vector<256xf32>
    %broadcast_in_dim3A = vector.shape_cast %reduce_sum3A_6 : vector<256xf32> to vector<256x1xf32>
    %mul3A_7 = arith.mulf %get3A_4, %get3A_4 : vector<8192x32xf32>
    %reduce_sum3A_8 = arith.constant dense<0.000000e+00> : vector<8192xf32>
    %reduce_sum3A_9 = vector.multi_reduction <add>, %mul3A_7, %reduce_sum3A_8 [1] : vector<8192x32xf32> to vector<8192xf32>
    %broadcast_in_dim3A_10 = vector.shape_cast %reduce_sum3A_9 : vector<8192xf32> to vector<1x8192xf32>
    %add3A = vector.broadcast %broadcast_in_dim3A : vector<256x1xf32> to vector<256x8192xf32>
    %add3A_11 = vector.broadcast %broadcast_in_dim3A_10 : vector<1x8192xf32> to vector<256x8192xf32>
    %add3A_12 = arith.addf %add3A, %add3A_11 : vector<256x8192xf32>
    %mul3A_13 = arith.constant 2.000000e+00 : f32
    %mul3A_14 = vector.broadcast %mul3A_13 : f32 to vector<256x8192xf32>
    %mul3A_15 = arith.mulf %mul3A_14, %dot_general3A_5 : vector<256x8192xf32>
    %sub3A = arith.subf %add3A_12, %mul3A_15 : vector<256x8192xf32>
    %argmin3A = tpu.reduce_index %sub3A {axis = 1 : i32, kind = #tpu.reduction_kind<arg_min>} : vector<256x8192xf32> -> vector<256xi32>
    %swap3A = arith.constant 0 : index
    %swap3A_16 = arith.constant 0 : index
    %swap3A_17 = arith.constant 0 : index
    %swap3A_18 = vector.load %arg3[%swap3A, %swap3A_16, %swap3A_17] : memref<1x1x256xi32, #tpu.memory_space<vmem>>, vector<1x1x256xi32>
    %swap3A_19 = vector.shape_cast %swap3A_18 : vector<1x1x256xi32> to vector<256xi32>
    %swap3A_20 = vector.shape_cast %argmin3A : vector<256xi32> to vector<1x1x256xi32>
    tpu.vector_store %arg3[%swap3A, %swap3A_16, %swap3A_17], %swap3A_20 {strides = array<i32>} : memref<1x1x256xi32, #tpu.memory_space<vmem>>, vector<1x1x256xi32>,
    return
  }
  func.func @transform_0(%arg0: i32) -> (i32, i32) {
    %c0_i32 = arith.constant 0 : i32
    %c0_i32_0 = arith.constant 0 : i32
    return %arg0, %c0_i32 : i32, i32
  }
  func.func @transform_1(%arg0: i32) -> (i32, i32) {
    %c0_i32 = arith.constant 0 : i32
    %c0_i32_0 = arith.constant 0 : i32
    %c0_i32_1 = arith.constant 0 : i32
    return %c0_i32, %c0_i32_0 : i32, i32
  }
  func.func @transform_2(%arg0: i32) -> (i32, i32, i32) {
    %c0_i32 = arith.constant 0 : i32
    %c0_i32_0 = arith.constant 0 : i32
    %c0_i32_1 = arith.constant 0 : i32
    return %arg0, %c0_i32, %c0_i32_0 : i32, i32, i32
  }
}

</mosaic_0001>

<sc_bundles>
// kernel: kernel.4.cloned.1.call-start
scs
__scs_entry_jumppad:
0x0: {  	(pc) =	sbr.rel $0x88, $3  }
0x1: {  	(tag) =	ssettag $0x0;
	lr =	simm.s32 $0x1  }
0x2: {  	[smem:$0x3F9F] =	sst lr;
	_ =	strace $0xD0000000  }
0x3: {  	_ = 	snop  }
0x4: {  	_ = 	snop  }
0x5: {  	_ = 	snop  }
0x6: {  	_ = 	snop  }
0x7: {  	_ = 	snop  }
__scs_overlays_trampoline_lowered:
0x8: {  	[smem:$0x3FAE] =	sst s0  }
0x9: {  	[smem:$0x3FAF] =	sst s1  }
0xa: {  	[smem:$0x3FB0] =	sst s2  }
0xb: {  	[smem:$0x3FB1] =	sst s3  }
0xc: {  	[smem:$0x3FB2] =	sst s4  }
0xd: {  	[smem:$0x3FB3] =	sst s5  }
0xe: {  	[smem:$0x3FB4] =	sst s6  }
0xf: {  	[smem:$0x3FB5] =	sst s7  }
0x10: {  	[smem:$0x3FB6] =	sst s8  }
0x11: {  	[smem:$0x3FB7] =	sst s9;
	s0 =	simm.s32 @!p0 $0x0  }
0x12: {  	s1 =	sld [smem:$0x3F9D];
	s0 =	simm.s32 @p0 $0x1  }
0x13: {  	[smem:$0x3FB8] =	sst s0;
	s0 =	simm.s32 @!p1 $0x0  }
0x14: {  	s2 =	sld [smem:$0x3F9C];
	s0 =	simm.s32 @p1 $0x1  }
0x15: {  	[smem:$0x3FB9] =	sst s0;
	s0 =	simm.s32 @!p2 $0x0  }
0x16: {  	s3 =	sld [smem:$0x3FDB];
	s0 =	simm.s32 @p2 $0x1  }
0x17: {  	s4 =	simm.s32 $0x1BF5;
	[smem:$0x3FBB] =	sst s0  }
0x18: {  	s0 =	sld [smem:$0x3F9E];
	_ =	swait.ge [sflag:s4], $0x0  }
0x19: {  	s7 =	sld [smem:$0x3F9F]  }
0x1a: {  	s8 =	sadd.s32 $0xFFFFE003, lr  }
0x1b: {  	s9 =	sadd.s32 $0xFFFFFEF7, lr;
	s5 =	simm.s32 $0xFFFFFFFF;
	p2 =	slt.u32 s8, $0xFFFFF086  }
0x1c: {  	p1 =	slt.u32 s9, $0xF7A;
	s5 =	simm.s32 @!p2 $0x0  }
0x1d: {  	s5 =	simm.s32 @p1 $0x1;
	p0 =	seq.s32 s7, s2  }
0x1e: {  	s7 =	smul.u32 @!p0 $0xF7A, s2;
	p2 =	seq.s32 @!p0 s5, $0x0  }
0x1f: {  	s9 =	smul.u32 $0xF7A, s1;
	s8 =	simm.s32 @!p0 $0x1BF5;
	p2 =	por !p2, p0  }
0x20: {  	[sflag:s8] =	ssyncset.s32 @!p0 $0xFFFFF086;
	s6 =	sadd.s32 @!p0 s3, s7;
	s7 =	simm.s32 @!p0 $0x108  }
0x21: {  	s3 =	sadd.s32 s3, s9;
	s6 =	sadd.s32 @!p0 $0x88, s6;
	s7 =	simm.s32 @p2 $0x1082  }
0x22: {  	[simem:s7], [sflag:s8] =	dma.local @!p0 [hbm:s6], $0xF7A  }
0x23: {  	s9 =	sor.u32 $0xD0000000, s2;
	s6 =	simm.s32 $0x108;
	_ =	swait.ge @!p0 [sflag:s8], $0x0  }
0x24: {  	s3 =	sadd.s32 $0x88, s3;
	s6 =	simm.s32 @!p1 $0x1082;
	[sflag:s4] =	ssyncset.s32 $0xFFFFF086  }
0x25: {  	[simem:s6], [sflag:s4] =	dma.local [hbm:s3], $0xF7A  }
0x26: {  	[smem:$0x3F9F] =	sst s1;
	(tag) =	ssettag s2;
	_ =	strace s9  }
0x27: {  	s1 =	sld [smem:$0x3FAF]  }
0x28: {  	s2 =	sld [smem:$0x3FB0]  }
0x29: {  	s4 =	sld [smem:$0x3FB2]  }
0x2a: {  	p0 =	seq.s32 s5, $0x0;
	s5 =	sld [smem:$0x3FB3]  }
0x2b: {  	s6 =	sld [smem:$0x3FB4]  }
0x2c: {  	s7 =	sld [smem:$0x3FB5]  }
0x2d: {  	s3 =	simm.s32 $0x108;
	s8 =	sld [smem:$0x3FB6]  }
0x2e: {  	s3 =	simm.s32 @!p0 $0x1082;
	s9 =	sld [smem:$0x3FB7]  }
0x2f: {  	lr =	sadd.s32 s0, s3;
	s0 =	sld [smem:$0x3FAE]  }
0x30: {  	s3 =	sld [smem:$0x3FB1]  }
0x31: {  	[smem:$0x3FBA] =	sst s10  }
0x32: {  	s10 =	sld [smem:$0x3FB8];
	_ =	sdelay $0x3  }
0x33: {  	p0 =	seq.s32 s10, $0x1;
	s10 =	sld [smem:$0x3FBA];
	_ =	sdelay $0x3  }
0x34: {  	[smem:$0x3FBA] =	sst s10  }
0x35: {  	s10 =	sld [smem:$0x3FB9];
	_ =	sdelay $0x3  }
0x36: {  	p1 =	seq.s32 s10, $0x1;
	s10 =	sld [smem:$0x3FBA];
	_ =	sdelay $0x3  }
0x37: {  	[smem:$0x3FBA] =	sst s10  }
0x38: {  	s10 =	sld [smem:$0x3FBB]  }
0x39: {  	_ = 	snop;
	(pc) =	sbr.ind lr, $3  }
0x3a: {  	_ = 	snop  }
0x3b: {  	_ = 	snop  }
0x3c: {  	p2 =	seq.s32 s10, $0x1;
	s10 =	sld [smem:$0x3FBA]  }
0x3d: {  	_ =	shalt  }
0x3e: {  	_ =	shalt  }
0x3f: {  	_ =	shalt  }
0x40: {  	_ =	shalt  }
0x41: {  	_ =	shalt  }
0x42: {  	_ =	shalt  }
0x43: {  	_ =	shalt  }
0x44: {  	_ =	shalt  }
0x45: {  	_ =	shalt  }
0x46: {  	_ =	shalt  }
0x47: {  	_ =	shalt  }
0x48: {  	_ =	shalt  }
0x49: {  	_ =	shalt  }
0x4a: {  	_ =	shalt  }
0x4b: {  	_ =	shalt  }
0x4c: {  	_ =	shalt  }
0x4d: {  	_ =	shalt  }
0x4e: {  	_ =	shalt  }
0x4f: {  	_ =	shalt  }
0x50: {  	_ =	shalt  }
0x51: {  	_ =	shalt  }
0x52: {  	_ =	shalt  }
0x53: {  	_ =	shalt  }
0x54: {  	_ =	shalt  }
0x55: {  	_ =	shalt  }
0x56: {  	_ =	shalt  }
0x57: {  	_ =	shalt  }
0x58: {  	_ =	shalt  }
0x59: {  	_ =	shalt  }
0x5a: {  	_ =	shalt  }
0x5b: {  	_ =	shalt  }
0x5c: {  	_ =	shalt  }
0x5d: {  	_ =	shalt  }
0x5e: {  	_ =	shalt  }
0x5f: {  	_ =	shalt  }
0x60: {  	_ =	shalt  }
0x61: {  	_ =	shalt  }
0x62: {  	_ =	shalt  }
0x63: {  	_ =	shalt  }
0x64: {  	_ =	shalt  }
0x65: {  	_ =	shalt  }
0x66: {  	_ =	shalt  }
0x67: {  	_ =	shalt  }
0x68: {  	_ =	shalt  }
0x69: {  	_ =	shalt  }
0x6a: {  	_ =	shalt  }
0x6b: {  	_ =	shalt  }
0x6c: {  	_ =	shalt  }
0x6d: {  	_ =	shalt  }
0x6e: {  	_ =	shalt  }
0x6f: {  	_ =	shalt  }
0x70: {  	_ =	shalt  }
0x71: {  	_ =	shalt  }
0x72: {  	_ =	shalt  }
0x73: {  	_ =	shalt  }
0x74: {  	_ =	shalt  }
0x75: {  	_ =	shalt  }
0x76: {  	_ =	shalt  }
0x77: {  	_ =	shalt  }
0x78: {  	_ =	shalt  }
0x79: {  	_ =	shalt  }
0x7a: {  	_ =	shalt  }
0x7b: {  	_ =	shalt  }
0x7c: {  	_ =	shalt  }
0x7d: {  	_ =	shalt  }
0x7e: {  	_ =	shalt  }
0x7f: {  	_ =	shalt  }
0x80: {  	_ =	shalt  }
0x81: {  	_ =	shalt  }
0x82: {  	_ =	shalt  }
0x83: {  	_ =	shalt  }
0x84: {  	_ =	shalt  }
0x85: {  	_ =	shalt  }
0x86: {  	_ =	shalt  }
0x87: {  	_ =	shalt  }
.Lfunc_end0:
.L_simem_size_0:
called_computation_lowered:
.L_overlay_start_0:
0x88: {  	s2 =	sld [smem:$0x3FD9]  }
0x89: {  	s3 =	sld [smem:$0x3FFE];
	_ =	sdelay $0x1  }
0x8a: {  	s1 =	srdreg.scid  }
0x8b: {  	s0 =	sand.u32 $0x1, s1  }
0x8c: {  	s14 =	sshll.u32 s0, $0xA;
	s2 =	sadd.s32 s3, s2  }
0x8d: {  	s2 =	sadd.s32 s2, s14  }
0x8e: {  	[smem:$0x3FC6] =	sst s2  }
0x8f: {  	_ = 	snop  }
0x90: {  	s2 =	sld [smem:$0x3FD0];
	_ =	sdelay $0x2  }
0x91: {  	s15 =	simm.s32 $0xA;
	s4 =	simm.s32 $0x10  }
0x92: {  	[smem:s4], [sflag:s15] =	dma.local [hbm:s2], $0x1  }
0x93: {  	_ =	swait.eq [sflag:s15], $0x1  }
0x94: {  	[sflag:s15] =	ssyncset.done $0x0  }
0x95: {  	[sflag:s15] =	ssyncadd.s32 $0xFFFFFFFF  }
0x96: {  	s16 =	sld [smem:$0x11];
	(tm) =	ssettm $0x1  }
0x97: {  	s17 =	sld [smem:$0x3FFB];
	_ =	sdelay $0x3  }
0x98: {  	_ =	strace s17  }
0x99: {  	s3 =	sld [smem:$0x3FFC];
	_ =	sdelay $0x3  }
0x9a: {  	_ =	strace s3  }
0x9b: {  	s3 =	sld [smem:$0x3FFD];
	_ =	sdelay $0x3  }
0x9c: {  	_ =	strace s3  }
0x9d: {  	_ =	strace $0x8FFFFFFF  }
0x9e: {  	s18 =	sld [smem:$0x3FDB];
	_ =	sdelay $0x1  }
0x9f: {  	s19 =	simm.s32 $_scs_section_size  }
0xa0: {  	s5 =	simm.s32 $_size__tile_overlayer_lowered;
	s6 =	simm.s32 $_tile_overlayer_lowered  }
0xa1: {  	s22 =	simm.s32 $0x1BFF;
	s21 =	sshll.u32 s6, $0x1;
	s3 =	sadd.s32 s19, s18  }
0xa2: {  	s7 =	simm.s32 $0x0;
	s20 =	sshll.u32 s5, $0x1;
	s5 =	sadd.s32 s21, s3  }
0xa3: {  	[timem:s7], [sflag:s22] =	dma.local [hbm:s5], s20  }
0xa4: {  	_ =	swait.ge [sflag:s22], s20  }
0xa5: {  	s4 =	ssub.s32 $0x0, s20;
	[sflag:s22] =	ssyncset.done $0x0  }
0xa6: {  	[sflag:s22] =	ssyncadd.s32 s4;
	_ =	sdelay $0x1  }
0xa7: {  	s23 =	simm.s32 $0x1B8B  }
0xa8: {  	_ =	swait.ge [sflag:s23], $0x1  }
0xa9: {  	[sflag:s23] =	ssyncset.done $0x0  }
0xaa: {  	s25 =	simm.s32 $0x1B8E;
	s24 =	sld [smem:$0x3FFE];
	[sflag:s23] =	ssyncadd.s32 $0xFFFFFFFF  }
0xab: {  	s26 =	simm.s32 $execute0_lowered;
	[smem:$0x3FD2] =	sst s25  }
0xac: {  	s5 =	sshll.u32 s26, $0x1;
	_ =	strace $0x80000046;
	[dreg:$0x1] =	wrdreg $0xFFFFFFFF  }
0xad: {  	s28 =	simm.s32 $_size_execute0_lowered;
	s3 =	sadd.s32 s3, s5;
	[dreg:$0x0] =	wrdreg $0x0  }
0xae: {  	s5 =	sshll.u32 s28, $0x1;
	[dreg:$0x2] =	wrdreg s3  }
0xaf: {  	[dreg:$0x3] =	wrdreg s5  }
0xb0: {  	[dreg:$0x4] =	wrdreg $0xC0  }
0xb1: {  	_ =	task [dreg:s7], $0x5FFFF  }
0xb2: {  	[dreg:$0x1] =	wrdreg $0xFFFFFFFF  }
0xb3: {  	[dreg:$0x0] =	wrdreg $0x60  }
0xb4: {  	[dreg:$0x2] =	wrdreg s16  }
0xb5: {  	[dreg:$0x3] =	wrdreg s24  }
0xb6: {  	[dreg:$0x4] =	wrdreg $0x9  }
0xb7: {  	_ =	task.clear_ibuf [dreg:s7], $0x5FFFF;
	_ =	strace $0x90000046  }
0xb8: {  	s29 =	simm.s32 $0x9;
	_ =	strace $0x80000048  }
0xb9: {  	_ =	swait.ge [sflag:s29], $0x1  }
0xba: {  	[sflag:s29] =	ssyncadd.s32 $0xFFFFFFFF  }
0xbb: {  	_ =	strace $0x90000048  }
0xbc: {  	_ =	sfence  }
0xbd: {  	s30 =	sld [smem:$0x0];
	_ =	sdelay $0x2  }
0xbe: {  	s31 =	sshll.u32 s1, $0xD;
	s1 =	sshrl.u32 s1, $0x2  }
0xbf: {  	s3 =	sand.u32 $0x4000, s31;
	s1 =	sadd.s32 s1, s30  }
0xc0: {  	s0 =	sor.u32 s3, s0;
	s1 =	sshll.u32 s1, $0x11  }
0xc1: {  	s0 =	sor.u32 s1, s0  }
0xc2: {  	s0 =	sadd.s32 $0x8F2B, s0  }
0xc3: {  	[sflag:s0] =	ssyncadd.remote.s32 $0x1  }
0xc4: {  	_ =	sfence.sel $0xFFFF  }
0xc5: {  	[dreg:$0x0] =	wrdreg $0xFFFFFFFF;
	(pc) =	sbr.abs _section_cstart, $3  }
0xc6: {  	[dreg:$0x1] =	wrdreg $0xFFFFFFFF  }
0xc7: {  	_ =	task.clear_ibuf [dreg:s7], $0x2FFFF;
	_ =	strace $0x9FFFFFFF  }
0xc8: {  	(tm) =	ssettm $0x7FFFFFFF  }
0xc9: {  	_ =	shalt  }
tec
execute0_lowered:
.L_overlay_start_1:
0x0: {  	(tag) =	ssettag $0x1  }
0x1: {  	s2 =	rddreg [dreg:$0x0];
	s1 =	srdreg.scid  }
0x2: {  	s0 =	stileid.u32;
	s4 =	rddreg [dreg:$0x1]  }
0x3: {  	s3 =	simm.s32 $0x0;
	s11 =	simm.s32 $0x80;
	s12 =	simm.s32 $0x100  }
0x4: {  	s13 =	simm.s32 $0x4100;
	s14 =	simm.s32 $0x1;
	s15 =	simm.s32 $0x8100  }
0x5: {  	s16 =	simm.s32 $0x18100;
	s5 =	sand.u32 $0x1, s1;
	s1 =	rddreg [dreg:$0x2]  }
0x6: {  	s17 =	simm.s32 $0x0;
	s6 =	sshll.u32 s0, $0x1;
	[smem:$0x7FF] =	sst s3  }
0x7: {  	s6 =	sor.u32 s5, s6;
	_ =	strace $0x80000047;
	s5 =	ssub.s32 $0x2, s5  }
0x8: {  	s7 =	sshll.u32 s6, $0x5;
	s8 =	sshll.u32 s6, $0xC;
	s6 =	sshll.u32 s6, $0x4  }
0x9: {  	s31 =	sshrl.u32 s5, $0x1;
	s7 =	sadd.s32 s7, s4;
	s8 =	sadd.s32 s8, s4  }
0xa: {  	s9 =	sadd.s32 s6, s4;
	s10 =	ssub.s32 s5, s31;
	s4 =	sadd.s32 $0x20E00, s7  }
0xb: {  	s5 =	sadd.s32 $0xE00, s8;
	s6 =	sadd.s32 $0x21200, s8;
	s7 =	sadd.s32 $0x41200, s9  }
0xc: {  	s8 =	smax.u32 s10, $0x1;
	s9 =	simm.s32 $0x2;
	s10 =	simm.s32 $0x10100  }
.LBB2_1:
0xd: {  	[tilespmem:s3], [sflag:$0x2] =	stream.linear.gather [hbm4b:s4+s3], $0x100, $0x38;
	[tilespmem:$0x18180] =	vst v63  }
0xe: {  	_ =	swait.ge [sflag:s9], $0x100  }
0xf: {  	[sflag:s9] =	ssyncset.done $0x0  }
0x10: {  	[sflag:s9] =	ssyncadd.s32 $0xFFFFFF00  }
0x11: {  	[tilespmem:s10], [sflag:$0x2] =	stream.linear.gather [hbm4b:s5+s3], $0x8000, $0x38;
	[tilespmem:$0x18180] =	vst v63  }
0x12: {  	_ =	swait.ge [sflag:s9], $0x8000  }
0x13: {  	[sflag:s9] =	ssyncset.done $0x0  }
0x14: {  	[sflag:s9] =	ssyncadd.s32 $0xFFFF8000  }
0x15: {  	[tilespmem:s12], [sflag:$0x1] =	stream.indirect.gather [hbm4b:s2+s11], $0x80, s3, s11, $0xb8;
	[tilespmem:$0x18180] =	vst v63  }
0x16: {  	_ = 	snop  }
0x17: {  	[tilespmem:s13], [sflag:$0x1] =	stream.indirect.gather [hbm4b:s2+s11], $0x80, s11, s11, $0xb8;
	[tilespmem:$0x18180] =	vst v63  }
0x18: {  	_ =	swait.ge [sflag:s14], $0x4000  }
0x19: {  	[sflag:s14] =	ssyncset.done $0x0  }
0x1a: {  	[sflag:s14] =	ssyncadd.s32 $0xFFFFC000  }
0x1b: {  	_ =	swait.ge [sflag:s14], $0x4000  }
0x1c: {  	[sflag:s14] =	ssyncset.done $0x0  }
0x1d: {  	s19 =	simm.s32 $0x0;
	[sflag:s14] =	ssyncadd.s32 $0xFFFFC000  }
0x1e: {  	v2 =	vld [tilespmem:s19+$0x100]  }
0x1f: {  	v3 =	vld [tilespmem:s19+$0x110]  }
0x20: {  	v4 =	vld [tilespmem:s19+$0x10100]  }
0x21: {  	v5 =	vld [tilespmem:s19+$0x10110];
	_ =	sdelay $0x1  }
0x22: {  	s18 =	simm.s32 $0x80;
	[tilespmem:s19+$0x8100] =	vst v2  }
0x23: {  	v0 =	vld [tilespmem:s18+$0x100];
	[tilespmem:s19+$0x8110] =	vst v3  }
0x24: {  	v1 =	vld [tilespmem:s18+$0x110]  }
0x25: {  	v6 =	vsub.f32 v2, v4;
	v7 =	vsub.f32 v3, v5;
	v3 =	vld [tilespmem:s18+$0x10100]  }
0x26: {  	v4 =	vld [tilespmem:s18+$0x10110]  }
0x27: {  	v2 =	vimm.f32 $0.0e+00;
	s19 =	simm.s32 $0x400;
	v5 =	vmul.f32 v6, v6;
	v6 =	vmul.f32 v7, v7  }
.LBB2_2:
0x28: {  	s20 =	sshra.s32 s19, $0x2;
	[tilespmem:s18+$0x8100] =	vst v0;
	v7 =	vmov v0;
	p0 =	sne.s32 s19, $0x1FE00  }
.Ltmp0:
0x29: {  	v0 =	vld [tilespmem:s20+$0x100];
	[tilespmem:s18+$0x8110] =	vst v1;
	v5 =	vadd.f32 v6, v5;
	v6 =	vmov v1;
	s18 =	smov.u32 s20;
	(pc) =	sbr.rel @p0 .LBB2_2-.Ltmp0, $4  }
0x2a: {  	v1 =	vld [tilespmem:s18+$0x110];
	v7 =	vsub.f32 v7, v3  }
0x2b: {  	s19 =	sadd.s32 $0x200, s19;
	v3 =	vld [tilespmem:s18+$0x10100];
	v6 =	vsub.f32 v6, v4;
	v2 =	vadd.f32 v5, v2  }
0x2c: {  	v4 =	vld [tilespmem:s18+$0x10110]  }
0x2d: {  	v5 =	vmul.f32 v7, v7;
	v6 =	vmul.f32 v6, v6  }
0x2e: {  	_ =	sdelay $0x2  }
0x2f: {  	v3 =	vsub.f32 v0, v3;
	v4 =	vsub.f32 v1, v4;
	_ =	sdelay $0x1  }
0x30: {  	v5 =	vadd.f32 v6, v5;
	v3 =	vmul.f32 v3, v3;
	v4 =	vmul.f32 v4, v4;
	_ =	sdelay $0x1  }
0x31: {  	v2 =	vadd.f32 v5, v2;
	v3 =	vadd.f32 v4, v3;
	_ =	sdelay $0x1  }
0x32: {  	[tilespmem:s18+$0x8100] =	vst v0;
	v63 =	vadd.f32 v3, v2  }
0x33: {  	[tilespmem:s18+$0x8110] =	vst v1  }
0x34: {  	[tilespmem:$0x18100] =	vst v63  }
0x35: {  	[hbm4b:s6+s3] =	stream.linear.scatter [tilespmem:s15], [sflag:$0x2], $0x8000, $0x38;
	[tilespmem:$0x18180] =	vst v63  }
0x36: {  	s17 =	sadd.s32 $0x1, s17;
	_ =	swait.ge [sflag:s9], $0x8000  }
0x37: {  	p0 =	sne.s32 s17, s8;
	[sflag:s9] =	ssyncset.done $0x0  }
.Ltmp1:
0x38: {  	[sflag:s9] =	ssyncadd.s32 $0xFFFF8000;
	(pc) =	sbr.rel @p0 .LBB2_1-.Ltmp1, $4  }
0x39: {  	[hbm4b:s7+s3] =	stream.linear.scatter [tilespmem:s16], [sflag:$0x2], $0x80, $0x38;
	[tilespmem:$0x18180] =	vst v63  }
0x3a: {  	_ =	swait.ge [sflag:s9], $0x80  }
0x3b: {  	[sflag:s9] =	ssyncset.done $0x0  }
0x3c: {  	[sflag:s9] =	ssyncadd.s32 $0xFFFFFF80  }
0x3d: {  	_ =	sfence.sel $0x180000  }
0x3e: {  	[bflag:$0x0] =	sbarrier.arrive $0xFFFF  }
0x3f: {  	p0 =	sne.s32 s0, $0x0;
	_ =	strace $0x90000047  }
0x40: {  	s0 =	sadd.s32 @!p0 $0x100000, s1;
	[bflag:$0x2] =	sbarrier.arrive $0xFFFF  }
0x41: {  	[sflag:s0] =	ssyncadd.tile.s32 @!p0 $0x1;
	_ =	shalt  }
.Lfunc_end2:
_tile_overlayer_lowered:
.L_overlay_start_2:
0x42: {  	(tag) =	ssettag $0x2  }
0x43: {  	s0 =	rddreg [dreg:$0x0];
	s2 =	stileid.u32  }
0x44: {  	s1 =	rddreg [dreg:$0x1];
	p0 =	sne.s32 s2, $0x0  }
0x45: {  	s3 =	rddreg [dreg:$0x2];
	[bflag:$0x3] =	sbarrier.arrive $0xFFFF;
	s2 =	simm.s32 @!p0 $0x1C02  }
0x46: {  	[timem:s3], [sflag:s2] =	dma.local @!p0 [hbm:s0], s1  }
0x47: {  	s0 =	simm.s32 @!p0 $0x2  }
0x48: {  	_ =	swait.ge @!p0 [sflag:s0], s1  }
0x49: {  	s1 =	ssub.s32 @!p0 $0x0, s1;
	[sflag:s0] =	ssyncset.done @!p0 $0x0  }
0x4a: {  	[sflag:s0] =	ssyncadd.s32 @!p0 s1  }
0x4b: {  	[bflag:$0x3] =	sbarrier.arrive $0xFFFF  }
0x4c: {  	_ =	shalt  }

</sc_bundles>
